<compile_context>
chip_gen: v7x
topology: tpu7x:2x2x1
jax: 0.10.2.dev20260603
libtpu: 0.0.44.dev20260713+nightly
codegen_flags: <defaults>
</compile_context>

<pallas_src>
import functools

import jax
import jax.numpy as jnp
from jax import lax
from jax.experimental import pallas as pl
from jax.experimental.pallas import tpu as pltpu
from jax.experimental.pallas import tpu_sc as plsc


def _sc_body(tbl_hbm, out_hbm, tbl, pattern, half, in_sem, stage_sem, out_sem,
             *, B, e, H, W):
    c = lax.axis_index("c")
    s = lax.axis_index("s")
    n_dim = 2 * e
    ch_per_tec = e // 16
    local0 = s * ch_per_tec
    ch0 = c * e + local0

    cp = pltpu.make_async_copy(tbl_hbm, tbl, in_sem)
    cp.start()
    cp.wait()

    iota = lax.iota(jnp.int32, 16)
    is_col = c == 0

    def seg(j, _):
        w_col = iota + (j % 2) * 16
        w_row = jnp.zeros((16,), jnp.int32) + j // 2
        w = jnp.where(is_col, w_col, w_row)
        base = w * n_dim + ch0
        for i in range(ch_per_tec):
            v = plsc.load_gather(tbl, [base + i])
            pattern[i, pl.ds(j * 16, 16)] = v
        return 0

    lax.fori_loop(0, (H * W) // 16, seg, 0)

    cp = pltpu.make_async_copy(
        pattern, half.at[pl.ds(local0, ch_per_tec), :], stage_sem
    )
    cp.start()
    cp.wait()
    plsc.subcore_barrier()

    for k in range((B + 15) // 16):
        b = k * 16 + s
        @pl.when(b < B)
        def _():
            cp = pltpu.make_async_copy(
                half, out_hbm.at[b, pl.ds(c * e, e), :], out_sem
            )
            cp.start()
            cp.wait()


def kernel(x, row_embed, col_embed):
    B = x.shape[0]
    H, W = x.shape[-2], x.shape[-1]
    e = row_embed.shape[1]
    n_dim = 2 * e
    tbl = jnp.concatenate([col_embed, row_embed], axis=1).reshape(-1)
    body = functools.partial(_sc_body, B=B, e=e, H=H, W=W)
    out = pl.kernel(
        body,
        out_type=jax.ShapeDtypeStruct((B, n_dim, H * W), row_embed.dtype),
        mesh=plsc.VectorSubcoreMesh(core_axis_name="c", subcore_axis_name="s"),
        scratch_types=[
            pltpu.VMEM(tbl.shape, tbl.dtype),
            pltpu.VMEM((e // 16, H * W), row_embed.dtype),
            pltpu.MemorySpace.VMEM_SHARED((e, H * W), row_embed.dtype),
            pltpu.SemaphoreType.DMA,
            pltpu.SemaphoreType.DMA,
            pltpu.SemaphoreType.DMA,
        ],
        compiler_params=pltpu.CompilerParams(needs_layout_passes=False),
    )(tbl)
    return out.reshape(B, n_dim, H, W)

# --- scband reference (transcript-rebuilt; emitter-appended) ---
"""Pipeline reference for scband-position-encoding-87789131530694 (READ-ONLY COPY).

The authoritative reference and input builder live on the scoring server;
editing this copy changes nothing except your own understanding.
"""

import jax, jax.numpy as jnp
import numpy as np

N_DIM = 512
EMBED_DIM = N_DIM // 2

def setup_inputs(seed: int = 0) -> dict:
    key = jax.random.key(seed)
    k1, k2, k3 = jax.random.split(key, 3)
    x = jax.random.normal(k1, (16, 768, 32, 32), dtype=jnp.float32)
    # nn.init.uniform_ -> U[0,1)
    row_embed = jax.random.uniform(k2, (50, EMBED_DIM), dtype=jnp.float32)
    col_embed = jax.random.uniform(k3, (50, EMBED_DIM), dtype=jnp.float32)
    return {"x": x, "row_embed": row_embed, "col_embed": col_embed}

def reference(x, row_embed, col_embed):
    H, W = x.shape[-2], x.shape[-1]
    i = jnp.arange(W)
    j = jnp.arange(H)
    x_embed = jnp.take(col_embed, i, axis=0)  # (W, embed_dim)
    y_embed = jnp.take(row_embed, j, axis=0)  # (H, embed_dim)
    pos = jnp.concatenate([
        jnp.tile(x_embed[None, :, :], (H, 1, 1)),   # (H, W, embed_dim)
        jnp.tile(y_embed[:, None, :], (1, W, 1)),   # (H, W, embed_dim)
    ], axis=-1)                                      # (H, W, n_dim)
    pos = jnp.transpose(pos, (2, 0, 1))              # (n_dim, H, W)
    pos = jnp.tile(pos[None, :, :, :], (x.shape[0], 1, 1, 1))  # (B, n_dim, H, W)
    return pos

if __name__ == "__main__":
    import jax
    _d = setup_inputs()
    print(jax.jit(kernel)(*tuple(_d.values())))

</pallas_src>

<mosaic_0001>
#map = affine_map<(d0, d1) -> (0)>
#map1 = affine_map<(d0, d1) -> (0, 0, 0)>
module attributes {stable_mosaic.version = 14 : i64} {
  func.func @_sc_body(%arg0: i32, %arg1: i32, %arg2: memref<25600xf32, #tpu.memory_space<hbm>>, %arg3: memref<16x512x1024xf32, #tpu.memory_space<hbm>>, %arg4: memref<25600xf32, #tpu.memory_space<vmem>>, %arg5: memref<16x1024xf32, #tpu.memory_space<vmem>>, %arg6: memref<256x1024xf32, #tpu.memory_space<vmem_shared>>, %arg7: memref<!tpu.dma_semaphore, #tpu.memory_space<semaphore_mem>>, %arg8: memref<!tpu.dma_semaphore, #tpu.memory_space<semaphore_mem>>, %arg9: memref<!tpu.dma_semaphore, #tpu.memory_space<semaphore_mem>>) attributes {dimension_semantics = [#tpu.dimension_semantics<core_parallel>, #tpu.dimension_semantics<subcore_parallel>], iteration_bounds = array<i64: 2, 16>, scalar_prefetch = 0 : i64, scratch_operands = 6 : i64, tpu.core_type = #tpu.core_type<sc_vector_subcore>, window_params = [{transform_indices = #map}, {transform_indices = #map1}]} {
    %mul3A = arith.constant 16 : i32
    %mul3A_0 = arith.muli %arg1, %mul3A : i32
    %mul3A_1 = arith.constant 256 : i32
    %mul3A_2 = arith.muli %arg0, %mul3A_1 : i32
    %add3A = arith.addi %mul3A_2, %mul3A_0 : i32
    tpu.enqueue_dma source(%arg2 : memref<25600xf32, #tpu.memory_space<hbm>>) target(%arg4 : memref<25600xf32, #tpu.memory_space<vmem>>) target_semaphore(%arg7 : memref<!tpu.dma_semaphore, #tpu.memory_space<semaphore_mem>>)
    tpu.wait_dma2 semaphore(%arg7 : memref<!tpu.dma_semaphore, #tpu.memory_space<semaphore_mem>>) src(%arg2 : memref<25600xf32, #tpu.memory_space<hbm>>) dst(%arg4 : memref<25600xf32, #tpu.memory_space<vmem>>)
    %iota3A = tpu.iota {dimensions = array<i32: 0>} : vector<16xi32>
    %eq3A = arith.constant 0 : i32
    %eq3A_3 = arith.cmpi eq, %arg0, %eq3A : i32
    %scan3A = arith.constant 0 : i32
    %scan3A_4 = arith.constant 0 : i32
    %scan3A_5 = arith.constant 64 : i32
    %scan3A_6 = arith.addi %scan3A_4, %scan3A_5 : i32
    %scan3A_7 = arith.constant 1 : i32
    %scan3A_8 = scf.for %scan3A_20 = %scan3A_4 to %scan3A_6 step %scan3A_7 iter_args(%scan3A_21 = %scan3A) -> (i32)  : i32 {
      %jit3A = arith.constant 2 : i32
      %eq3A_22 = arith.constant 0 : i32
      %eq3A_23 = arith.cmpi eq, %jit3A, %eq3A_22 : i32
      %jit3A_24 = arith.constant 1 : i32
      %select_n3A = arith.select %eq3A_23, %jit3A_24, %jit3A : i32
      %rem3A = arith.remsi %scan3A_20, %select_n3A : i32
      %ne3A = arith.constant 0 : i32
      %ne3A_25 = arith.cmpi ne, %rem3A, %ne3A : i32
      %lt3A_26 = arith.constant 0 : i32
      %lt3A_27 = arith.cmpi slt, %rem3A, %lt3A_26 : i32
      %lt3A_28 = arith.constant 0 : i32
      %lt3A_29 = arith.cmpi slt, %select_n3A, %lt3A_28 : i32
      %ne3A_30 = arith.xori %lt3A_27, %lt3A_29 : i1
      %and3A = arith.andi %ne3A_30, %ne3A_25 : i1
      %add3A_31 = arith.addi %rem3A, %select_n3A : i32
      %select_n3A_32 = arith.select %and3A, %add3A_31, %rem3A : i32
      %mul3A_33 = arith.constant 16 : i32
      %mul3A_34 = arith.muli %select_n3A_32, %mul3A_33 : i32
      %add3A_35 = vector.broadcast %mul3A_34 : i32 to vector<16xi32>
      %add3A_36 = arith.addi %iota3A, %add3A_35 : vector<16xi32>
      %broadcast_in_dim3A = arith.constant 0 : i32
      %broadcast_in_dim3A_37 = vector.broadcast %broadcast_in_dim3A : i32 to vector<16xi32>
      %jit3A_38 = arith.constant 2 : i32
      %div3A = arith.divsi %scan3A_20, %jit3A_38 : i32
      %sign3A = arith.constant 0 : i32
      %sign3A_39 = arith.cmpi sgt, %scan3A_20, %sign3A : i32
      %sign3A_40 = arith.extui %sign3A_39 : i1 to i32
      %sign3A_41 = arith.constant 0 : i32
      %sign3A_42 = arith.cmpi slt, %scan3A_20, %sign3A_41 : i32
      %sign3A_43 = arith.extui %sign3A_42 : i1 to i32
      %sign3A_44 = arith.subi %sign3A_40, %sign3A_43 : i32
      %sign3A_45 = arith.constant 0 : i32
      %sign3A_46 = arith.cmpi sgt, %jit3A_38, %sign3A_45 : i32
      %sign3A_47 = arith.extui %sign3A_46 : i1 to i32
      %sign3A_48 = arith.constant 0 : i32
      %sign3A_49 = arith.cmpi slt, %jit3A_38, %sign3A_48 : i32
      %sign3A_50 = arith.extui %sign3A_49 : i1 to i32
      %sign3A_51 = arith.subi %sign3A_47, %sign3A_50 : i32
      %ne3A_52 = arith.cmpi ne, %sign3A_44, %sign3A_51 : i32
      %rem3A_53 = arith.remsi %scan3A_20, %jit3A_38 : i32
      %ne3A_54 = arith.constant 0 : i32
      %ne3A_55 = arith.cmpi ne, %rem3A_53, %ne3A_54 : i32
      %and3A_56 = arith.andi %ne3A_52, %ne3A_55 : i1
      %sub3A = arith.constant 1 : i32
      %sub3A_57 = arith.subi %div3A, %sub3A : i32
      %select_n3A_58 = arith.select %and3A_56, %sub3A_57, %div3A : i32
      %add3A_59 = vector.broadcast %select_n3A_58 : i32 to vector<16xi32>
      %add3A_60 = arith.addi %broadcast_in_dim3A_37, %add3A_59 : vector<16xi32>
      %select_n3A_61 = arith.select %eq3A_3, %add3A_36, %add3A_60 : vector<16xi32>
      %mul3A_62 = arith.constant 512 : i32
      %mul3A_63 = vector.broadcast %mul3A_62 : i32 to vector<16xi32>
      %mul3A_64 = arith.muli %select_n3A_61, %mul3A_63 : vector<16xi32>
      %add3A_65 = vector.broadcast %add3A : i32 to vector<16xi32>
      %add3A_66 = arith.addi %mul3A_64, %add3A_65 : vector<16xi32>
      %add3A_67 = arith.constant 0 : i32
      %add3A_68 = vector.broadcast %add3A_67 : i32 to vector<16xi32>
      %add3A_69 = arith.addi %add3A_66, %add3A_68 : vector<16xi32>
      %gather3A = tpu.vector_load_idx %arg4[%add3A_69] : memref<25600xf32, #tpu.memory_space<vmem>>[vector<16xi32>], vector<16xf32>,
      %mul3A_70 = arith.constant 16 : i32
      %mul3A_71 = arith.muli %scan3A_20, %mul3A_70 : i32
      %swap3A = arith.constant 0 : i32
      %swap3A_72 = arith.index_cast %swap3A : i32 to index
      %swap3A_73 = arith.index_cast %mul3A_71 : i32 to index
      %swap3A_74 = tpu.vector_load %arg5[%swap3A_72, %swap3A_73] {strides = array<i32>} : memref<16x1024xf32, #tpu.memory_space<vmem>>, vector<16xf32>,
      tpu.vector_store %arg5[%swap3A_72, %swap3A_73], %gather3A {strides = array<i32>} : memref<16x1024xf32, #tpu.memory_space<vmem>>, vector<16xf32>,
      %add3A_75 = arith.constant 1 : i32
      %add3A_76 = vector.broadcast %add3A_75 : i32 to vector<16xi32>
      %add3A_77 = arith.addi %add3A_66, %add3A_76 : vector<16xi32>
      %gather3A_78 = tpu.vector_load_idx %arg4[%add3A_77] : memref<25600xf32, #tpu.memory_space<vmem>>[vector<16xi32>], vector<16xf32>,
      %mul3A_79 = arith.constant 16 : i32
      %mul3A_80 = arith.muli %scan3A_20, %mul3A_79 : i32
      %swap3A_81 = arith.constant 1 : i32
      %swap3A_82 = arith.index_cast %swap3A_81 : i32 to index
      %swap3A_83 = arith.index_cast %mul3A_80 : i32 to index
      %swap3A_84 = tpu.vector_load %arg5[%swap3A_82, %swap3A_83] {strides = array<i32>} : memref<16x1024xf32, #tpu.memory_space<vmem>>, vector<16xf32>,
      tpu.vector_store %arg5[%swap3A_82, %swap3A_83], %gather3A_78 {strides = array<i32>} : memref<16x1024xf32, #tpu.memory_space<vmem>>, vector<16xf32>,
      %add3A_85 = arith.constant 2 : i32
      %add3A_86 = vector.broadcast %add3A_85 : i32 to vector<16xi32>
      %add3A_87 = arith.addi %add3A_66, %add3A_86 : vector<16xi32>
      %gather3A_88 = tpu.vector_load_idx %arg4[%add3A_87] : memref<25600xf32, #tpu.memory_space<vmem>>[vector<16xi32>], vector<16xf32>,
      %mul3A_89 = arith.constant 16 : i32
      %mul3A_90 = arith.muli %scan3A_20, %mul3A_89 : i32
      %swap3A_91 = arith.constant 2 : i32
      %swap3A_92 = arith.index_cast %swap3A_91 : i32 to index
      %swap3A_93 = arith.index_cast %mul3A_90 : i32 to index
      %swap3A_94 = tpu.vector_load %arg5[%swap3A_92, %swap3A_93] {strides = array<i32>} : memref<16x1024xf32, #tpu.memory_space<vmem>>, vector<16xf32>,
      tpu.vector_store %arg5[%swap3A_92, %swap3A_93], %gather3A_88 {strides = array<i32>} : memref<16x1024xf32, #tpu.memory_space<vmem>>, vector<16xf32>,
      %add3A_95 = arith.constant 3 : i32
      %add3A_96 = vector.broadcast %add3A_95 : i32 to vector<16xi32>
      %add3A_97 = arith.addi %add3A_66, %add3A_96 : vector<16xi32>
      %gather3A_98 = tpu.vector_load_idx %arg4[%add3A_97] : memref<25600xf32, #tpu.memory_space<vmem>>[vector<16xi32>], vector<16xf32>,
      %mul3A_99 = arith.constant 16 : i32
      %mul3A_100 = arith.muli %scan3A_20, %mul3A_99 : i32
      %swap3A_101 = arith.constant 3 : i32
      %swap3A_102 = arith.index_cast %swap3A_101 : i32 to index
      %swap3A_103 = arith.index_cast %mul3A_100 : i32 to index
      %swap3A_104 = tpu.vector_load %arg5[%swap3A_102, %swap3A_103] {strides = array<i32>} : memref<16x1024xf32, #tpu.memory_space<vmem>>, vector<16xf32>,
      tpu.vector_store %arg5[%swap3A_102, %swap3A_103], %gather3A_98 {strides = array<i32>} : memref<16x1024xf32, #tpu.memory_space<vmem>>, vector<16xf32>,
      %add3A_105 = arith.constant 4 : i32
      %add3A_106 = vector.broadcast %add3A_105 : i32 to vector<16xi32>
      %add3A_107 = arith.addi %add3A_66, %add3A_106 : vector<16xi32>
      %gather3A_108 = tpu.vector_load_idx %arg4[%add3A_107] : memref<25600xf32, #tpu.memory_space<vmem>>[vector<16xi32>], vector<16xf32>,
      %mul3A_109 = arith.constant 16 : i32
      %mul3A_110 = arith.muli %scan3A_20, %mul3A_109 : i32
      %swap3A_111 = arith.constant 4 : i32
      %swap3A_112 = arith.index_cast %swap3A_111 : i32 to index
      %swap3A_113 = arith.index_cast %mul3A_110 : i32 to index
      %swap3A_114 = tpu.vector_load %arg5[%swap3A_112, %swap3A_113] {strides = array<i32>} : memref<16x1024xf32, #tpu.memory_space<vmem>>, vector<16xf32>,
      tpu.vector_store %arg5[%swap3A_112, %swap3A_113], %gather3A_108 {strides = array<i32>} : memref<16x1024xf32, #tpu.memory_space<vmem>>, vector<16xf32>,
      %add3A_115 = arith.constant 5 : i32
      %add3A_116 = vector.broadcast %add3A_115 : i32 to vector<16xi32>
      %add3A_117 = arith.addi %add3A_66, %add3A_116 : vector<16xi32>
      %gather3A_118 = tpu.vector_load_idx %arg4[%add3A_117] : memref<25600xf32, #tpu.memory_space<vmem>>[vector<16xi32>], vector<16xf32>,
      %mul3A_119 = arith.constant 16 : i32
      %mul3A_120 = arith.muli %scan3A_20, %mul3A_119 : i32
      %swap3A_121 = arith.constant 5 : i32
      %swap3A_122 = arith.index_cast %swap3A_121 : i32 to index
      %swap3A_123 = arith.index_cast %mul3A_120 : i32 to index
      %swap3A_124 = tpu.vector_load %arg5[%swap3A_122, %swap3A_123] {strides = array<i32>} : memref<16x1024xf32, #tpu.memory_space<vmem>>, vector<16xf32>,
      tpu.vector_store %arg5[%swap3A_122, %swap3A_123], %gather3A_118 {strides = array<i32>} : memref<16x1024xf32, #tpu.memory_space<vmem>>, vector<16xf32>,
      %add3A_125 = arith.constant 6 : i32
      %add3A_126 = vector.broadcast %add3A_125 : i32 to vector<16xi32>
      %add3A_127 = arith.addi %add3A_66, %add3A_126 : vector<16xi32>
      %gather3A_128 = tpu.vector_load_idx %arg4[%add3A_127] : memref<25600xf32, #tpu.memory_space<vmem>>[vector<16xi32>], vector<16xf32>,
      %mul3A_129 = arith.constant 16 : i32
      %mul3A_130 = arith.muli %scan3A_20, %mul3A_129 : i32
      %swap3A_131 = arith.constant 6 : i32
      %swap3A_132 = arith.index_cast %swap3A_131 : i32 to index
      %swap3A_133 = arith.index_cast %mul3A_130 : i32 to index
      %swap3A_134 = tpu.vector_load %arg5[%swap3A_132, %swap3A_133] {strides = array<i32>} : memref<16x1024xf32, #tpu.memory_space<vmem>>, vector<16xf32>,
      tpu.vector_store %arg5[%swap3A_132, %swap3A_133], %gather3A_128 {strides = array<i32>} : memref<16x1024xf32, #tpu.memory_space<vmem>>, vector<16xf32>,
      %add3A_135 = arith.constant 7 : i32
      %add3A_136 = vector.broadcast %add3A_135 : i32 to vector<16xi32>
      %add3A_137 = arith.addi %add3A_66, %add3A_136 : vector<16xi32>
      %gather3A_138 = tpu.vector_load_idx %arg4[%add3A_137] : memref<25600xf32, #tpu.memory_space<vmem>>[vector<16xi32>], vector<16xf32>,
      %mul3A_139 = arith.constant 16 : i32
      %mul3A_140 = arith.muli %scan3A_20, %mul3A_139 : i32
      %swap3A_141 = arith.constant 7 : i32
      %swap3A_142 = arith.index_cast %swap3A_141 : i32 to index
      %swap3A_143 = arith.index_cast %mul3A_140 : i32 to index
      %swap3A_144 = tpu.vector_load %arg5[%swap3A_142, %swap3A_143] {strides = array<i32>} : memref<16x1024xf32, #tpu.memory_space<vmem>>, vector<16xf32>,
      tpu.vector_store %arg5[%swap3A_142, %swap3A_143], %gather3A_138 {strides = array<i32>} : memref<16x1024xf32, #tpu.memory_space<vmem>>, vector<16xf32>,
      %add3A_145 = arith.constant 8 : i32
      %add3A_146 = vector.broadcast %add3A_145 : i32 to vector<16xi32>
      %add3A_147 = arith.addi %add3A_66, %add3A_146 : vector<16xi32>
      %gather3A_148 = tpu.vector_load_idx %arg4[%add3A_147] : memref<25600xf32, #tpu.memory_space<vmem>>[vector<16xi32>], vector<16xf32>,
      %mul3A_149 = arith.constant 16 : i32
      %mul3A_150 = arith.muli %scan3A_20, %mul3A_149 : i32
      %swap3A_151 = arith.constant 8 : i32
      %swap3A_152 = arith.index_cast %swap3A_151 : i32 to index
      %swap3A_153 = arith.index_cast %mul3A_150 : i32 to index
      %swap3A_154 = tpu.vector_load %arg5[%swap3A_152, %swap3A_153] {strides = array<i32>} : memref<16x1024xf32, #tpu.memory_space<vmem>>, vector<16xf32>,
      tpu.vector_store %arg5[%swap3A_152, %swap3A_153], %gather3A_148 {strides = array<i32>} : memref<16x1024xf32, #tpu.memory_space<vmem>>, vector<16xf32>,
      %add3A_155 = arith.constant 9 : i32
      %add3A_156 = vector.broadcast %add3A_155 : i32 to vector<16xi32>
      %add3A_157 = arith.addi %add3A_66, %add3A_156 : vector<16xi32>
      %gather3A_158 = tpu.vector_load_idx %arg4[%add3A_157] : memref<25600xf32, #tpu.memory_space<vmem>>[vector<16xi32>], vector<16xf32>,
      %mul3A_159 = arith.constant 16 : i32
      %mul3A_160 = arith.muli %scan3A_20, %mul3A_159 : i32
      %swap3A_161 = arith.constant 9 : i32
      %swap3A_162 = arith.index_cast %swap3A_161 : i32 to index
      %swap3A_163 = arith.index_cast %mul3A_160 : i32 to index
      %swap3A_164 = tpu.vector_load %arg5[%swap3A_162, %swap3A_163] {strides = array<i32>} : memref<16x1024xf32, #tpu.memory_space<vmem>>, vector<16xf32>,
      tpu.vector_store %arg5[%swap3A_162, %swap3A_163], %gather3A_158 {strides = array<i32>} : memref<16x1024xf32, #tpu.memory_space<vmem>>, vector<16xf32>,
      %add3A_165 = arith.constant 10 : i32
      %add3A_166 = vector.broadcast %add3A_165 : i32 to vector<16xi32>
      %add3A_167 = arith.addi %add3A_66, %add3A_166 : vector<16xi32>
      %gather3A_168 = tpu.vector_load_idx %arg4[%add3A_167] : memref<25600xf32, #tpu.memory_space<vmem>>[vector<16xi32>], vector<16xf32>,
      %mul3A_169 = arith.constant 16 : i32
      %mul3A_170 = arith.muli %scan3A_20, %mul3A_169 : i32
      %swap3A_171 = arith.constant 10 : i32
      %swap3A_172 = arith.index_cast %swap3A_171 : i32 to index
      %swap3A_173 = arith.index_cast %mul3A_170 : i32 to index
      %swap3A_174 = tpu.vector_load %arg5[%swap3A_172, %swap3A_173] {strides = array<i32>} : memref<16x1024xf32, #tpu.memory_space<vmem>>, vector<16xf32>,
      tpu.vector_store %arg5[%swap3A_172, %swap3A_173], %gather3A_168 {strides = array<i32>} : memref<16x1024xf32, #tpu.memory_space<vmem>>, vector<16xf32>,
      %add3A_175 = arith.constant 11 : i32
      %add3A_176 = vector.broadcast %add3A_175 : i32 to vector<16xi32>
      %add3A_177 = arith.addi %add3A_66, %add3A_176 : vector<16xi32>
      %gather3A_178 = tpu.vector_load_idx %arg4[%add3A_177] : memref<25600xf32, #tpu.memory_space<vmem>>[vector<16xi32>], vector<16xf32>,
      %mul3A_179 = arith.constant 16 : i32
      %mul3A_180 = arith.muli %scan3A_20, %mul3A_179 : i32
      %swap3A_181 = arith.constant 11 : i32
      %swap3A_182 = arith.index_cast %swap3A_181 : i32 to index
      %swap3A_183 = arith.index_cast %mul3A_180 : i32 to index
      %swap3A_184 = tpu.vector_load %arg5[%swap3A_182, %swap3A_183] {strides = array<i32>} : memref<16x1024xf32, #tpu.memory_space<vmem>>, vector<16xf32>,
      tpu.vector_store %arg5[%swap3A_182, %swap3A_183], %gather3A_178 {strides = array<i32>} : memref<16x1024xf32, #tpu.memory_space<vmem>>, vector<16xf32>,
      %add3A_185 = arith.constant 12 : i32
      %add3A_186 = vector.broadcast %add3A_185 : i32 to vector<16xi32>
      %add3A_187 = arith.addi %add3A_66, %add3A_186 : vector<16xi32>
      %gather3A_188 = tpu.vector_load_idx %arg4[%add3A_187] : memref<25600xf32, #tpu.memory_space<vmem>>[vector<16xi32>], vector<16xf32>,
      %mul3A_189 = arith.constant 16 : i32
      %mul3A_190 = arith.muli %scan3A_20, %mul3A_189 : i32
      %swap3A_191 = arith.constant 12 : i32
      %swap3A_192 = arith.index_cast %swap3A_191 : i32 to index
      %swap3A_193 = arith.index_cast %mul3A_190 : i32 to index
      %swap3A_194 = tpu.vector_load %arg5[%swap3A_192, %swap3A_193] {strides = array<i32>} : memref<16x1024xf32, #tpu.memory_space<vmem>>, vector<16xf32>,
      tpu.vector_store %arg5[%swap3A_192, %swap3A_193], %gather3A_188 {strides = array<i32>} : memref<16x1024xf32, #tpu.memory_space<vmem>>, vector<16xf32>,
      %add3A_195 = arith.constant 13 : i32
      %add3A_196 = vector.broadcast %add3A_195 : i32 to vector<16xi32>
      %add3A_197 = arith.addi %add3A_66, %add3A_196 : vector<16xi32>
      %gather3A_198 = tpu.vector_load_idx %arg4[%add3A_197] : memref<25600xf32, #tpu.memory_space<vmem>>[vector<16xi32>], vector<16xf32>,
      %mul3A_199 = arith.constant 16 : i32
      %mul3A_200 = arith.muli %scan3A_20, %mul3A_199 : i32
      %swap3A_201 = arith.constant 13 : i32
      %swap3A_202 = arith.index_cast %swap3A_201 : i32 to index
      %swap3A_203 = arith.index_cast %mul3A_200 : i32 to index
      %swap3A_204 = tpu.vector_load %arg5[%swap3A_202, %swap3A_203] {strides = array<i32>} : memref<16x1024xf32, #tpu.memory_space<vmem>>, vector<16xf32>,
      tpu.vector_store %arg5[%swap3A_202, %swap3A_203], %gather3A_198 {strides = array<i32>} : memref<16x1024xf32, #tpu.memory_space<vmem>>, vector<16xf32>,
      %add3A_205 = arith.constant 14 : i32
      %add3A_206 = vector.broadcast %add3A_205 : i32 to vector<16xi32>
      %add3A_207 = arith.addi %add3A_66, %add3A_206 : vector<16xi32>
      %gather3A_208 = tpu.vector_load_idx %arg4[%add3A_207] : memref<25600xf32, #tpu.memory_space<vmem>>[vector<16xi32>], vector<16xf32>,
      %mul3A_209 = arith.constant 16 : i32
      %mul3A_210 = arith.muli %scan3A_20, %mul3A_209 : i32
      %swap3A_211 = arith.constant 14 : i32
      %swap3A_212 = arith.index_cast %swap3A_211 : i32 to index
      %swap3A_213 = arith.index_cast %mul3A_210 : i32 to index
      %swap3A_214 = tpu.vector_load %arg5[%swap3A_212, %swap3A_213] {strides = array<i32>} : memref<16x1024xf32, #tpu.memory_space<vmem>>, vector<16xf32>,
      tpu.vector_store %arg5[%swap3A_212, %swap3A_213], %gather3A_208 {strides = array<i32>} : memref<16x1024xf32, #tpu.memory_space<vmem>>, vector<16xf32>,
      %add3A_215 = arith.constant 15 : i32
      %add3A_216 = vector.broadcast %add3A_215 : i32 to vector<16xi32>
      %add3A_217 = arith.addi %add3A_66, %add3A_216 : vector<16xi32>
      %gather3A_218 = tpu.vector_load_idx %arg4[%add3A_217] : memref<25600xf32, #tpu.memory_space<vmem>>[vector<16xi32>], vector<16xf32>,
      %mul3A_219 = arith.constant 16 : i32
      %mul3A_220 = arith.muli %scan3A_20, %mul3A_219 : i32
      %swap3A_221 = arith.constant 15 : i32
      %swap3A_222 = arith.index_cast %swap3A_221 : i32 to index
      %swap3A_223 = arith.index_cast %mul3A_220 : i32 to index
      %swap3A_224 = tpu.vector_load %arg5[%swap3A_222, %swap3A_223] {strides = array<i32>} : memref<16x1024xf32, #tpu.memory_space<vmem>>, vector<16xf32>,
      tpu.vector_store %arg5[%swap3A_222, %swap3A_223], %gather3A_218 {strides = array<i32>} : memref<16x1024xf32, #tpu.memory_space<vmem>>, vector<16xf32>,
      %scan3A_225 = arith.constant 0 : i32
      scf.yield %scan3A_225 : i32
    }
    %scan3A_9 = arith.constant 64 : i32
    %dma_start3A = arith.constant 0 : i32
    %dma_start3A_10 = tpu.memref_slice %arg6[%mul3A_0, %dma_start3A] : memref<256x1024xf32, #tpu.memory_space<vmem_shared>> -> memref<16x1024xf32, #tpu.memory_space<vmem_shared>>
    %dma_start3A_11 = arith.constant 0 : i32
    %dma_start3A_12 = tpu.memref_slice %arg6[%mul3A_0, %dma_start3A_11] : memref<256x1024xf32, #tpu.memory_space<vmem_shared>> -> memref<16x1024xf32, #tpu.memory_space<vmem_shared>>
    tpu.enqueue_dma source(%arg5 : memref<16x1024xf32, #tpu.memory_space<vmem>>) target(%dma_start3A_12 : memref<16x1024xf32, #tpu.memory_space<vmem_shared>>) target_semaphore(%arg8 : memref<!tpu.dma_semaphore, #tpu.memory_space<semaphore_mem>>)
    %dma_wait3A = arith.constant 0 : i32
    %dma_wait3A_13 = tpu.memref_slice %arg6[%mul3A_0, %dma_wait3A] : memref<256x1024xf32, #tpu.memory_space<vmem_shared>> -> memref<16x1024xf32, #tpu.memory_space<vmem_shared>>
    %dma_wait3A_14 = arith.constant 0 : i32
    %dma_wait3A_15 = tpu.memref_slice %arg6[%mul3A_0, %dma_wait3A_14] : memref<256x1024xf32, #tpu.memory_space<vmem_shared>> -> memref<16x1024xf32, #tpu.memory_space<vmem_shared>>
    tpu.wait_dma2 semaphore(%arg8 : memref<!tpu.dma_semaphore, #tpu.memory_space<semaphore_mem>>) src(%arg5 : memref<16x1024xf32, #tpu.memory_space<vmem>>) dst(%dma_wait3A_15 : memref<16x1024xf32, #tpu.memory_space<vmem_shared>>)
    %barrier3A = arith.constant 0 : index
    tpu.barrier barrier_id(%barrier3A)
    %add3A_16 = arith.constant 0 : i32
    %add3A_17 = arith.addi %add3A_16, %arg1 : i32
    %lt3A = arith.constant 16 : i32
    %lt3A_18 = arith.cmpi slt, %add3A_17, %lt3A : i32
    %convert_element_type3A = arith.extui %lt3A_18 : i1 to i32
    %cond3A = arith.constant 0 : i32
    %cond3A_19 = arith.cmpi ne, %convert_element_type3A, %cond3A : i32
    scf.if %cond3A_19 {
      %mul3A_20 = arith.constant 256 : i32
      %mul3A_21 = arith.muli %arg0, %mul3A_20 : i32
      %dma_start3A_22 = arith.constant 0 : i32
      %dma_start3A_23 = tpu.memref_slice %arg3[%add3A_17, %mul3A_21, %dma_start3A_22] : memref<16x512x1024xf32, #tpu.memory_space<hbm>> -> memref<1x256x1024xf32, #tpu.memory_space<hbm>>
      %dma_start3A_24 = tpu.memref_squeeze %dma_start3A_23 : memref<1x256x1024xf32, #tpu.memory_space<hbm>> -> memref<256x1024xf32, #tpu.memory_space<hbm>>
      tpu.enqueue_dma source(%arg6 : memref<256x1024xf32, #tpu.memory_space<vmem_shared>>) target(%dma_start3A_24 : memref<256x1024xf32, #tpu.memory_space<hbm>>) target_semaphore(%arg9 : memref<!tpu.dma_semaphore, #tpu.memory_space<semaphore_mem>>)
      %dma_wait3A_25 = arith.constant 0 : i32
      %dma_wait3A_26 = tpu.memref_slice %arg3[%add3A_17, %mul3A_21, %dma_wait3A_25] : memref<16x512x1024xf32, #tpu.memory_space<hbm>> -> memref<1x256x1024xf32, #tpu.memory_space<hbm>>
      %dma_wait3A_27 = tpu.memref_squeeze %dma_wait3A_26 : memref<1x256x1024xf32, #tpu.memory_space<hbm>> -> memref<256x1024xf32, #tpu.memory_space<hbm>>
      tpu.wait_dma2 semaphore(%arg9 : memref<!tpu.dma_semaphore, #tpu.memory_space<semaphore_mem>>) src(%arg6 : memref<256x1024xf32, #tpu.memory_space<vmem_shared>>) dst(%dma_wait3A_27 : memref<256x1024xf32, #tpu.memory_space<hbm>>)
    } else {
    }
    return
  }
}

</mosaic_0001>

<sc_bundles>
// kernel: kernel.3.cloned.1.call-start
scs
__scs_entry_jumppad:
0x0: {  	(pc) =	sbr.rel $0x88, $3  }
0x1: {  	(tag) =	ssettag $0x0;
	lr =	simm.s32 $0x1  }
0x2: {  	[smem:$0x3F9F] =	sst lr;
	_ =	strace $0xD0000000  }
0x3: {  	_ = 	snop  }
0x4: {  	_ = 	snop  }
0x5: {  	_ = 	snop  }
0x6: {  	_ = 	snop  }
0x7: {  	_ = 	snop  }
__scs_overlays_trampoline_lowered:
0x8: {  	[smem:$0x3FAE] =	sst s0  }
0x9: {  	[smem:$0x3FAF] =	sst s1  }
0xa: {  	[smem:$0x3FB0] =	sst s2  }
0xb: {  	[smem:$0x3FB1] =	sst s3  }
0xc: {  	[smem:$0x3FB2] =	sst s4  }
0xd: {  	[smem:$0x3FB3] =	sst s5  }
0xe: {  	[smem:$0x3FB4] =	sst s6  }
0xf: {  	[smem:$0x3FB5] =	sst s7  }
0x10: {  	[smem:$0x3FB6] =	sst s8  }
0x11: {  	[smem:$0x3FB7] =	sst s9;
	s0 =	simm.s32 @!p0 $0x0  }
0x12: {  	s1 =	sld [smem:$0x3F9D];
	s0 =	simm.s32 @p0 $0x1  }
0x13: {  	[smem:$0x3FB8] =	sst s0;
	s0 =	simm.s32 @!p1 $0x0  }
0x14: {  	s2 =	sld [smem:$0x3F9C];
	s0 =	simm.s32 @p1 $0x1  }
0x15: {  	[smem:$0x3FB9] =	sst s0;
	s0 =	simm.s32 @!p2 $0x0  }
0x16: {  	s3 =	sld [smem:$0x3FDB];
	s0 =	simm.s32 @p2 $0x1  }
0x17: {  	s4 =	simm.s32 $0x1BF5;
	[smem:$0x3FBB] =	sst s0  }
0x18: {  	s0 =	sld [smem:$0x3F9E];
	_ =	swait.ge [sflag:s4], $0x0  }
0x19: {  	s7 =	sld [smem:$0x3F9F]  }
0x1a: {  	s8 =	sadd.s32 $0xFFFFE003, lr  }
0x1b: {  	s9 =	sadd.s32 $0xFFFFFEF7, lr;
	s5 =	simm.s32 $0xFFFFFFFF;
	p2 =	slt.u32 s8, $0xFFFFF086  }
0x1c: {  	p1 =	slt.u32 s9, $0xF7A;
	s5 =	simm.s32 @!p2 $0x0  }
0x1d: {  	s5 =	simm.s32 @p1 $0x1;
	p0 =	seq.s32 s7, s2  }
0x1e: {  	s7 =	smul.u32 @!p0 $0xF7A, s2;
	p2 =	seq.s32 @!p0 s5, $0x0  }
0x1f: {  	s9 =	smul.u32 $0xF7A, s1;
	s8 =	simm.s32 @!p0 $0x1BF5;
	p2 =	por !p2, p0  }
0x20: {  	[sflag:s8] =	ssyncset.s32 @!p0 $0xFFFFF086;
	s6 =	sadd.s32 @!p0 s3, s7;
	s7 =	simm.s32 @!p0 $0x108  }
0x21: {  	s3 =	sadd.s32 s3, s9;
	s6 =	sadd.s32 @!p0 $0x88, s6;
	s7 =	simm.s32 @p2 $0x1082  }
0x22: {  	[simem:s7], [sflag:s8] =	dma.local @!p0 [hbm:s6], $0xF7A  }
0x23: {  	s9 =	sor.u32 $0xD0000000, s2;
	s6 =	simm.s32 $0x108;
	_ =	swait.ge @!p0 [sflag:s8], $0x0  }
0x24: {  	s3 =	sadd.s32 $0x88, s3;
	s6 =	simm.s32 @!p1 $0x1082;
	[sflag:s4] =	ssyncset.s32 $0xFFFFF086  }
0x25: {  	[simem:s6], [sflag:s4] =	dma.local [hbm:s3], $0xF7A  }
0x26: {  	[smem:$0x3F9F] =	sst s1;
	(tag) =	ssettag s2;
	_ =	strace s9  }
0x27: {  	s1 =	sld [smem:$0x3FAF]  }
0x28: {  	s2 =	sld [smem:$0x3FB0]  }
0x29: {  	s4 =	sld [smem:$0x3FB2]  }
0x2a: {  	p0 =	seq.s32 s5, $0x0;
	s5 =	sld [smem:$0x3FB3]  }
0x2b: {  	s6 =	sld [smem:$0x3FB4]  }
0x2c: {  	s7 =	sld [smem:$0x3FB5]  }
0x2d: {  	s3 =	simm.s32 $0x108;
	s8 =	sld [smem:$0x3FB6]  }
0x2e: {  	s3 =	simm.s32 @!p0 $0x1082;
	s9 =	sld [smem:$0x3FB7]  }
0x2f: {  	lr =	sadd.s32 s0, s3;
	s0 =	sld [smem:$0x3FAE]  }
0x30: {  	s3 =	sld [smem:$0x3FB1]  }
0x31: {  	[smem:$0x3FBA] =	sst s10  }
0x32: {  	s10 =	sld [smem:$0x3FB8];
	_ =	sdelay $0x3  }
0x33: {  	p0 =	seq.s32 s10, $0x1;
	s10 =	sld [smem:$0x3FBA];
	_ =	sdelay $0x3  }
0x34: {  	[smem:$0x3FBA] =	sst s10  }
0x35: {  	s10 =	sld [smem:$0x3FB9];
	_ =	sdelay $0x3  }
0x36: {  	p1 =	seq.s32 s10, $0x1;
	s10 =	sld [smem:$0x3FBA];
	_ =	sdelay $0x3  }
0x37: {  	[smem:$0x3FBA] =	sst s10  }
0x38: {  	s10 =	sld [smem:$0x3FBB]  }
0x39: {  	_ = 	snop;
	(pc) =	sbr.ind lr, $3  }
0x3a: {  	_ = 	snop  }
0x3b: {  	_ = 	snop  }
0x3c: {  	p2 =	seq.s32 s10, $0x1;
	s10 =	sld [smem:$0x3FBA]  }
0x3d: {  	_ =	shalt  }
0x3e: {  	_ =	shalt  }
0x3f: {  	_ =	shalt  }
0x40: {  	_ =	shalt  }
0x41: {  	_ =	shalt  }
0x42: {  	_ =	shalt  }
0x43: {  	_ =	shalt  }
0x44: {  	_ =	shalt  }
0x45: {  	_ =	shalt  }
0x46: {  	_ =	shalt  }
0x47: {  	_ =	shalt  }
0x48: {  	_ =	shalt  }
0x49: {  	_ =	shalt  }
0x4a: {  	_ =	shalt  }
0x4b: {  	_ =	shalt  }
0x4c: {  	_ =	shalt  }
0x4d: {  	_ =	shalt  }
0x4e: {  	_ =	shalt  }
0x4f: {  	_ =	shalt  }
0x50: {  	_ =	shalt  }
0x51: {  	_ =	shalt  }
0x52: {  	_ =	shalt  }
0x53: {  	_ =	shalt  }
0x54: {  	_ =	shalt  }
0x55: {  	_ =	shalt  }
0x56: {  	_ =	shalt  }
0x57: {  	_ =	shalt  }
0x58: {  	_ =	shalt  }
0x59: {  	_ =	shalt  }
0x5a: {  	_ =	shalt  }
0x5b: {  	_ =	shalt  }
0x5c: {  	_ =	shalt  }
0x5d: {  	_ =	shalt  }
0x5e: {  	_ =	shalt  }
0x5f: {  	_ =	shalt  }
0x60: {  	_ =	shalt  }
0x61: {  	_ =	shalt  }
0x62: {  	_ =	shalt  }
0x63: {  	_ =	shalt  }
0x64: {  	_ =	shalt  }
0x65: {  	_ =	shalt  }
0x66: {  	_ =	shalt  }
0x67: {  	_ =	shalt  }
0x68: {  	_ =	shalt  }
0x69: {  	_ =	shalt  }
0x6a: {  	_ =	shalt  }
0x6b: {  	_ =	shalt  }
0x6c: {  	_ =	shalt  }
0x6d: {  	_ =	shalt  }
0x6e: {  	_ =	shalt  }
0x6f: {  	_ =	shalt  }
0x70: {  	_ =	shalt  }
0x71: {  	_ =	shalt  }
0x72: {  	_ =	shalt  }
0x73: {  	_ =	shalt  }
0x74: {  	_ =	shalt  }
0x75: {  	_ =	shalt  }
0x76: {  	_ =	shalt  }
0x77: {  	_ =	shalt  }
0x78: {  	_ =	shalt  }
0x79: {  	_ =	shalt  }
0x7a: {  	_ =	shalt  }
0x7b: {  	_ =	shalt  }
0x7c: {  	_ =	shalt  }
0x7d: {  	_ =	shalt  }
0x7e: {  	_ =	shalt  }
0x7f: {  	_ =	shalt  }
0x80: {  	_ =	shalt  }
0x81: {  	_ =	shalt  }
0x82: {  	_ =	shalt  }
0x83: {  	_ =	shalt  }
0x84: {  	_ =	shalt  }
0x85: {  	_ =	shalt  }
0x86: {  	_ =	shalt  }
0x87: {  	_ =	shalt  }
.Lfunc_end0:
.L_simem_size_0:
called_computation_lowered:
.L_overlay_start_0:
0x88: {  	s2 =	sld [smem:$0x3FD9]  }
0x89: {  	s3 =	sld [smem:$0x3FFE];
	_ =	sdelay $0x1  }
0x8a: {  	s1 =	srdreg.scid  }
0x8b: {  	s0 =	sand.u32 $0x1, s1  }
0x8c: {  	s17 =	sshll.u32 s0, $0xA;
	s2 =	sadd.s32 s3, s2  }
0x8d: {  	s2 =	sadd.s32 s2, s17  }
0x8e: {  	[smem:$0x3FC6] =	sst s2  }
0x8f: {  	_ = 	snop  }
0x90: {  	s2 =	sld [smem:$0x3FD0];
	(tm) =	ssettm $0x1  }
0x91: {  	s18 =	sld [smem:$0x3FFB];
	_ =	sdelay $0x3  }
0x92: {  	_ =	strace s18  }
0x93: {  	s3 =	sld [smem:$0x3FFC];
	_ =	sdelay $0x3  }
0x94: {  	_ =	strace s3  }
0x95: {  	s3 =	sld [smem:$0x3FFD];
	_ =	sdelay $0x3  }
0x96: {  	_ =	strace s3  }
0x97: {  	_ =	strace $0x8FFFFFFF  }
0x98: {  	s19 =	sld [smem:$0x3FDB];
	_ =	sdelay $0x1  }
0x99: {  	s4 =	simm.s32 $_scs_section_size  }
0x9a: {  	s5 =	simm.s32 $_size__tile_overlayer_lowered;
	s6 =	simm.s32 $_tile_overlayer_lowered  }
0x9b: {  	s22 =	simm.s32 $0x1BFF;
	s21 =	sshll.u32 s6, $0x1;
	s3 =	sadd.s32 s4, s19  }
0x9c: {  	s7 =	simm.s32 $0x0;
	s20 =	sshll.u32 s5, $0x1;
	s5 =	sadd.s32 s21, s3  }
0x9d: {  	[timem:s7], [sflag:s22] =	dma.local [hbm:s5], s20  }
0x9e: {  	_ =	swait.ge [sflag:s22], s20  }
0x9f: {  	s4 =	ssub.s32 $0x0, s20;
	[sflag:s22] =	ssyncset.done $0x0  }
0xa0: {  	[sflag:s22] =	ssyncadd.s32 s4;
	_ =	sdelay $0x1  }
0xa1: {  	s23 =	simm.s32 $0x1B8B  }
0xa2: {  	_ =	swait.ge [sflag:s23], $0x1  }
0xa3: {  	[sflag:s23] =	ssyncset.done $0x0  }
0xa4: {  	s25 =	simm.s32 $0x1B8E;
	s24 =	sld [smem:$0x3FFE];
	[sflag:s23] =	ssyncadd.s32 $0xFFFFFFFF  }
0xa5: {  	s26 =	simm.s32 $execute0_lowered;
	[smem:$0x3FD2] =	sst s25  }
0xa6: {  	s5 =	sshll.u32 s26, $0x1;
	_ =	strace $0x80000046;
	[dreg:$0x1] =	wrdreg $0xFFFFFFFF  }
0xa7: {  	s28 =	simm.s32 $_size_execute0_lowered;
	s3 =	sadd.s32 s3, s5;
	[dreg:$0x0] =	wrdreg $0x0  }
0xa8: {  	s5 =	sshll.u32 s28, $0x1;
	[dreg:$0x2] =	wrdreg s3  }
0xa9: {  	[dreg:$0x3] =	wrdreg s5  }
0xaa: {  	[dreg:$0x4] =	wrdreg $0xC0  }
0xab: {  	_ =	task [dreg:s7], $0x5FFFF  }
0xac: {  	[dreg:$0x1] =	wrdreg $0xFFFFFFFF  }
0xad: {  	[dreg:$0x0] =	wrdreg $0x60  }
0xae: {  	[dreg:$0x2] =	wrdreg s2  }
0xaf: {  	[dreg:$0x3] =	wrdreg s24  }
0xb0: {  	[dreg:$0x4] =	wrdreg $0xA4000  }
0xb1: {  	[dreg:$0x5] =	wrdreg $0x9  }
0xb2: {  	_ =	task.clear_ibuf [dreg:s7], $0x6FFFF;
	_ =	strace $0x90000046  }
0xb3: {  	s29 =	simm.s32 $0x9;
	_ =	strace $0x80000048  }
0xb4: {  	_ =	swait.ge [sflag:s29], $0x1  }
0xb5: {  	[sflag:s29] =	ssyncadd.s32 $0xFFFFFFFF  }
0xb6: {  	_ =	strace $0x90000048  }
0xb7: {  	_ =	sfence  }
0xb8: {  	s30 =	sld [smem:$0x0];
	_ =	sdelay $0x2  }
0xb9: {  	s31 =	sshll.u32 s1, $0xD;
	s1 =	sshrl.u32 s1, $0x2  }
0xba: {  	s3 =	sand.u32 $0x4000, s31;
	s1 =	sadd.s32 s1, s30  }
0xbb: {  	s0 =	sor.u32 s3, s0;
	s1 =	sshll.u32 s1, $0x11  }
0xbc: {  	s0 =	sor.u32 s1, s0  }
0xbd: {  	s0 =	sadd.s32 $0x8F2B, s0  }
0xbe: {  	[sflag:s0] =	ssyncadd.remote.s32 $0x1  }
0xbf: {  	_ =	sfence.sel $0xFFFF  }
0xc0: {  	[dreg:$0x0] =	wrdreg $0xFFFFFFFF;
	(pc) =	sbr.abs _section_cstart, $3  }
0xc1: {  	[dreg:$0x1] =	wrdreg $0xFFFFFFFF  }
0xc2: {  	_ =	task.clear_ibuf [dreg:s7], $0x2FFFF;
	_ =	strace $0x9FFFFFFF  }
0xc3: {  	(tm) =	ssettm $0x7FFFFFFF  }
tec
execute0_lowered:
.L_overlay_start_1:
0x0: {  	(tag) =	ssettag $0x1  }
0x1: {  	s1 =	rddreg [dreg:$0x0]  }
0x2: {  	s0 =	srdreg.scid;
	s4 =	rddreg [dreg:$0x1]  }
0x3: {  	s11 =	rddreg [dreg:$0x2];
	s8 =	sand.u32 $0x1, s0;
	s0 =	stileid.u32  }
0x4: {  	s2 =	rddreg [dreg:$0x3];
	s5 =	sshll.u32 s0, $0x4;
	s6 =	sshll.u32 s8, $0x8  }
0x5: {  	s3 =	simm.s32 $0x0;
	s9 =	simm.s32 $0x2;
	s5 =	sor.u32 s5, s6  }
0x6: {  	s12 =	simm.s32 $0x3;
	s13 =	simm.s32 $0x0;
	[smem:$0x7FF] =	sst s3;
	v0 =	vmov s5  }
0x7: {  	v16 =	vlaneseq.u32;
	_ =	strace $0x80000047;
	s28 =	sshll.u32 s8, $0xF;
	s29 =	ssub.s32 $0x2, s8;
	v15 =	vand.u32 $0x70, v0  }
0x8: {  	s7 =	sshll.u32 s0, $0x10;
	p0 =	seq.s32 s8, $0x0;
	s10 =	sshll.u32 s0, $0x6;
	v1 =	vor.u32 $0x1, v15;
	v2 =	vor.u32 $0x2, v15;
	v3 =	vor.u32 $0x3, v15  }
0x9: {  	s8 =	simm.s32 $0x6400;
	s4 =	sadd.s32 s28, s4;
	s30 =	sshrl.u32 s29, $0x1;
	v4 =	vor.u32 $0x4, v15;
	v5 =	vor.u32 $0x5, v15;
	v6 =	vor.u32 $0x6, v15  }
0xa: {  	s31 =	sshrl.u32 s7, $0x2;
	s10 =	sor.u32 $0x1C03, s10;
	s6 =	ssub.s32 s29, s30;
	v7 =	vor.u32 $0x7, v15;
	v8 =	vor.u32 $0x8, v15;
	v9 =	vor.u32 $0x9, v15  }
0xb: {  	s7 =	sadd.s32 s7, s4;
	s4 =	sadd.s32 s31, s11;
	s11 =	sshrl.u32 s11, $0x3;
	v10 =	vor.u32 $0xA, v15;
	v11 =	vor.u32 $0xB, v15;
	v12 =	vor.u32 $0xC, v15  }
0xc: {  	s5 =	sadd.s32 $0x400, s7;
	s6 =	smax.u32 s6, $0x1;
	s7 =	simm.s32 $0x1;
	v13 =	vor.u32 $0xD, v15;
	v14 =	vor.u32 $0xE, v15;
	v15 =	vor.u32 $0xF, v15  }
.LBB2_1:
0xd: {  	s14 =	sand.u32 $0x10, s3  }
0xe: {  	s29 =	simm.s32 $0x0;
	v17 =	vor.u32 s14, v16  }
0xf: {  	v17 =	vpsel !p0, s29, v17  }
0x10: {  	v17 =	vshll.u32 v17, $0x9  }
0x11: {  	v17 =	vor.u32 v0, v17  }
0x12: {  	[tilespmem:s3], [sflag:$0x1] =	stream.linear.gather [hbm4b:s1+s3], $0x6400, $0x38;
	[tilespmem:$0xE400] =	vst v63  }
0x13: {  	_ =	swait.ge [sflag:s7], $0x6400  }
0x14: {  	[sflag:s7] =	ssyncset.done $0x0  }
0x15: {  	[sflag:s7] =	ssyncadd.s32 $0xFFFF9C00  }
0x16: {  	v18 =	vld.idx.msk [tilespmem:v17+s3+$0x0], $0xffff;
	v17 =	vand.u32 $0x7FFFFF80, v17  }
0x17: {  	v19 =	vor.u32 v1, v17;
	_ =	sdelay $0x1  }
0x18: {  	s30 =	sand.u32 $0x70, s3;
	s15 =	sand.u32 $0x1C00, s3  }
0x19: {  	s14 =	sor.u32 s30, s15  }
0x1a: {  	[tilespmem:s14+$0x6400] =	vst v18  }
0x1b: {  	v18 =	vld.idx.msk [tilespmem:v19+s3+$0x0], $0xffff  }
0x1c: {  	v19 =	vor.u32 v2, v17;
	_ =	sdelay $0x3  }
0x1d: {  	[tilespmem:s14+$0x6480] =	vst v18  }
0x1e: {  	v18 =	vld.idx.msk [tilespmem:v19+s3+$0x0], $0xffff  }
0x1f: {  	v19 =	vor.u32 v3, v17;
	_ =	sdelay $0x3  }
0x20: {  	[tilespmem:s14+$0x6500] =	vst v18  }
0x21: {  	v18 =	vld.idx.msk [tilespmem:v19+s3+$0x0], $0xffff  }
0x22: {  	v19 =	vor.u32 v4, v17;
	_ =	sdelay $0x3  }
0x23: {  	[tilespmem:s14+$0x6580] =	vst v18  }
0x24: {  	v18 =	vld.idx.msk [tilespmem:v19+s3+$0x0], $0xffff  }
0x25: {  	v19 =	vor.u32 v5, v17;
	_ =	sdelay $0x3  }
0x26: {  	[tilespmem:s14+$0x6600] =	vst v18  }
0x27: {  	v18 =	vld.idx.msk [tilespmem:v19+s3+$0x0], $0xffff  }
0x28: {  	v19 =	vor.u32 v6, v17;
	_ =	sdelay $0x3  }
0x29: {  	[tilespmem:s14+$0x6680] =	vst v18  }
0x2a: {  	v18 =	vld.idx.msk [tilespmem:v19+s3+$0x0], $0xffff  }
0x2b: {  	v19 =	vor.u32 v7, v17;
	_ =	sdelay $0x3  }
0x2c: {  	[tilespmem:s14+$0x6700] =	vst v18  }
0x2d: {  	v18 =	vld.idx.msk [tilespmem:v19+s3+$0x0], $0xffff  }
0x2e: {  	v19 =	vor.u32 v8, v17;
	_ =	sdelay $0x1  }
0x2f: {  	s31 =	sor.u32 s3, s3  }
0x30: {  	s15 =	sor.u32 $0x380, s31  }
0x31: {  	[tilespmem:s15+$0x6400] =	vst v18  }
0x32: {  	v18 =	vld.idx.msk [tilespmem:v19+s3+$0x0], $0xffff  }
0x33: {  	v19 =	vor.u32 v9, v17;
	_ =	sdelay $0x3  }
0x34: {  	[tilespmem:s14+$0x8400] =	vst v18  }
0x35: {  	v18 =	vld.idx.msk [tilespmem:v19+s3+$0x0], $0xffff  }
0x36: {  	v19 =	vor.u32 v10, v17;
	_ =	sdelay $0x3  }
0x37: {  	[tilespmem:s14+$0x8480] =	vst v18  }
0x38: {  	v18 =	vld.idx.msk [tilespmem:v19+s3+$0x0], $0xffff  }
0x39: {  	v19 =	vor.u32 v11, v17;
	_ =	sdelay $0x3  }
0x3a: {  	[tilespmem:s14+$0x8500] =	vst v18  }
0x3b: {  	v18 =	vld.idx.msk [tilespmem:v19+s3+$0x0], $0xffff  }
0x3c: {  	v19 =	vor.u32 v12, v17;
	_ =	sdelay $0x3  }
0x3d: {  	[tilespmem:s14+$0x8580] =	vst v18  }
0x3e: {  	v18 =	vld.idx.msk [tilespmem:v19+s3+$0x0], $0xffff  }
0x3f: {  	v19 =	vor.u32 v13, v17;
	_ =	sdelay $0x3  }
0x40: {  	[tilespmem:s14+$0x8600] =	vst v18  }
0x41: {  	v18 =	vld.idx.msk [tilespmem:v19+s3+$0x0], $0xffff  }
0x42: {  	v19 =	vor.u32 v14, v17;
	_ =	sdelay $0x3  }
0x43: {  	[tilespmem:s14+$0x8680] =	vst v18  }
0x44: {  	v18 =	vld.idx.msk [tilespmem:v19+s3+$0x0], $0xffff  }
0x45: {  	v17 =	vor.u32 v15, v17;
	_ =	sdelay $0x1  }
0x46: {  	s17 =	simm.s32 $0x1;
	s15 =	simm.s32 $0x10  }
0x47: {  	s18 =	simm.s32 $0x2;
	s16 =	simm.s32 $0x0;
	s19 =	sand.u32 $0x10, s15  }
.LBB2_2:
0x48: {  	p1 =	sne.s32 s18, $0x3F;
	v19 =	vor.u32 s19, v16;
	s19 =	sshrl.u32 s17, $0x1;
	[tilespmem:s14+$0x8700] =	vst v18;
	s17 =	smov.u32 s18  }
0x49: {  	v18 =	vpsel !p0, s19, v19;
	v17 =	vld.idx.msk [tilespmem:v17+s3+$0x0], $0xffff  }
0x4a: {  	v18 =	vshll.u32 v18, $0x9  }
0x4b: {  	v18 =	vor.u32 v0, v18;
	_ =	sdelay $0x3  }
0x4c: {  	[tilespmem:s14+$0x8780] =	vst v17  }
0x4d: {  	v19 =	vld.idx.msk [tilespmem:v18+s3+$0x0], $0xffff  }
0x4e: {  	v17 =	vand.u32 $0x7FFFFF80, v18  }
0x4f: {  	v18 =	vor.u32 v1, v17  }
0x50: {  	s16 =	sadd.s32 $0x80, s16  }
0x51: {  	s19 =	sand.u32 $0x1C00, s16;
	s14 =	sand.u32 $0x70, s15  }
0x52: {  	s14 =	sor.u32 s14, s19  }
0x53: {  	[tilespmem:s14+$0x6400] =	vst v19  }
0x54: {  	v18 =	vld.idx.msk [tilespmem:v18+s3+$0x0], $0xffff;
	_ =	sdelay $0x1  }
0x55: {  	v19 =	vor.u32 v2, v17;
	_ =	sdelay $0x3  }
0x56: {  	[tilespmem:s14+$0x6480] =	vst v18  }
0x57: {  	v18 =	vld.idx.msk [tilespmem:v19+s3+$0x0], $0xffff;
	_ =	sdelay $0x1  }
0x58: {  	v19 =	vor.u32 v3, v17;
	_ =	sdelay $0x3  }
0x59: {  	[tilespmem:s14+$0x6500] =	vst v18  }
0x5a: {  	v18 =	vld.idx.msk [tilespmem:v19+s3+$0x0], $0xffff;
	_ =	sdelay $0x1  }
0x5b: {  	v19 =	vor.u32 v4, v17;
	_ =	sdelay $0x3  }
0x5c: {  	[tilespmem:s14+$0x6580] =	vst v18  }
0x5d: {  	v18 =	vld.idx.msk [tilespmem:v19+s3+$0x0], $0xffff;
	_ =	sdelay $0x1  }
0x5e: {  	v19 =	vor.u32 v5, v17;
	_ =	sdelay $0x3  }
0x5f: {  	[tilespmem:s14+$0x6600] =	vst v18  }
0x60: {  	v18 =	vld.idx.msk [tilespmem:v19+s3+$0x0], $0xffff;
	_ =	sdelay $0x1  }
0x61: {  	v19 =	vor.u32 v6, v17;
	_ =	sdelay $0x3  }
0x62: {  	[tilespmem:s14+$0x6680] =	vst v18  }
0x63: {  	v18 =	vld.idx.msk [tilespmem:v19+s3+$0x0], $0xffff;
	_ =	sdelay $0x1  }
0x64: {  	v19 =	vor.u32 v7, v17;
	_ =	sdelay $0x3  }
0x65: {  	[tilespmem:s14+$0x6700] =	vst v18  }
0x66: {  	v18 =	vld.idx.msk [tilespmem:v19+s3+$0x0], $0xffff;
	_ =	sdelay $0x1  }
0x67: {  	v19 =	vor.u32 v8, v17;
	_ =	sdelay $0x1  }
0x68: {  	s19 =	sor.u32 s16, s15  }
0x69: {  	s19 =	sor.u32 $0x380, s19  }
0x6a: {  	[tilespmem:s19+$0x6400] =	vst v18  }
0x6b: {  	v18 =	vld.idx.msk [tilespmem:v19+s3+$0x0], $0xffff;
	_ =	sdelay $0x1  }
0x6c: {  	v19 =	vor.u32 v9, v17;
	_ =	sdelay $0x3  }
0x6d: {  	[tilespmem:s14+$0x8400] =	vst v18  }
0x6e: {  	v18 =	vld.idx.msk [tilespmem:v19+s3+$0x0], $0xffff;
	_ =	sdelay $0x1  }
0x6f: {  	v19 =	vor.u32 v10, v17;
	_ =	sdelay $0x3  }
0x70: {  	[tilespmem:s14+$0x8480] =	vst v18  }
0x71: {  	v18 =	vld.idx.msk [tilespmem:v19+s3+$0x0], $0xffff;
	_ =	sdelay $0x1  }
0x72: {  	v19 =	vor.u32 v11, v17;
	_ =	sdelay $0x3  }
0x73: {  	[tilespmem:s14+$0x8500] =	vst v18  }
0x74: {  	v18 =	vld.idx.msk [tilespmem:v19+s3+$0x0], $0xffff;
	_ =	sdelay $0x1  }
0x75: {  	v19 =	vor.u32 v12, v17;
	_ =	sdelay $0x3  }
0x76: {  	[tilespmem:s14+$0x8580] =	vst v18  }
0x77: {  	v18 =	vld.idx.msk [tilespmem:v19+s3+$0x0], $0xffff;
	_ =	sdelay $0x1  }
0x78: {  	v19 =	vor.u32 v13, v17;
	_ =	sdelay $0x3  }
0x79: {  	[tilespmem:s14+$0x8600] =	vst v18  }
0x7a: {  	v18 =	vld.idx.msk [tilespmem:v19+s3+$0x0], $0xffff;
	_ =	sdelay $0x1  }
0x7b: {  	v19 =	vor.u32 v14, v17;
	_ =	sdelay $0x3  }
0x7c: {  	[tilespmem:s14+$0x8680] =	vst v18  }
0x7d: {  	v18 =	vld.idx.msk [tilespmem:v19+s3+$0x0], $0xffff  }
.Ltmp0:
0x7e: {  	(pc) =	sbr.rel @p1 .LBB2_2-.Ltmp0, $3  }
0x7f: {  	v17 =	vor.u32 v15, v17;
	_ =	sdelay $0x1  }
0x80: {  	s15 =	sadd.s32 $0x10, s15  }
0x81: {  	s18 =	sadd.s32 $0x1, s18;
	s19 =	sand.u32 $0x10, s15  }
0x82: {  	_ =	sdelay $0x1  }
0x83: {  	v19 =	vor.u32 s19, v16;
	s17 =	sshrl.u32 s17, $0x1  }
0x84: {  	[tilespmem:s14+$0x8700] =	vst v18;
	v18 =	vpsel !p0, s17, v19  }
0x85: {  	v17 =	vld.idx.msk [tilespmem:v17+s3+$0x0], $0xffff;
	v18 =	vshll.u32 v18, $0x9  }
0x86: {  	v18 =	vor.u32 v0, v18;
	_ =	sdelay $0x3  }
0x87: {  	[tilespmem:s14+$0x8780] =	vst v17  }
0x88: {  	v17 =	vld.idx.msk [tilespmem:v18+s3+$0x0], $0xffff;
	v18 =	vand.u32 $0x7FFFFF80, v18  }
0x89: {  	v19 =	vor.u32 v1, v18  }
0x8a: {  	s29 =	sadd.s32 $0x80, s16  }
0x8b: {  	s30 =	sand.u32 $0x70, s15;
	s31 =	sand.u32 $0x1C00, s29  }
0x8c: {  	s16 =	sor.u32 s30, s31  }
0x8d: {  	[tilespmem:s16+$0x6400] =	vst v17  }
0x8e: {  	v17 =	vld.idx.msk [tilespmem:v19+s3+$0x0], $0xffff  }
0x8f: {  	v19 =	vor.u32 v2, v18;
	_ =	sdelay $0x3  }
0x90: {  	[tilespmem:s16+$0x6480] =	vst v17  }
0x91: {  	v17 =	vld.idx.msk [tilespmem:v19+s3+$0x0], $0xffff  }
0x92: {  	v19 =	vor.u32 v3, v18;
	_ =	sdelay $0x3  }
0x93: {  	[tilespmem:s16+$0x6500] =	vst v17  }
0x94: {  	v17 =	vld.idx.msk [tilespmem:v19+s3+$0x0], $0xffff  }
0x95: {  	v19 =	vor.u32 v4, v18;
	_ =	sdelay $0x3  }
0x96: {  	[tilespmem:s16+$0x6580] =	vst v17  }
0x97: {  	v17 =	vld.idx.msk [tilespmem:v19+s3+$0x0], $0xffff  }
0x98: {  	v19 =	vor.u32 v5, v18;
	_ =	sdelay $0x3  }
0x99: {  	[tilespmem:s16+$0x6600] =	vst v17  }
0x9a: {  	v17 =	vld.idx.msk [tilespmem:v19+s3+$0x0], $0xffff  }
0x9b: {  	v19 =	vor.u32 v6, v18;
	_ =	sdelay $0x3  }
0x9c: {  	[tilespmem:s16+$0x6680] =	vst v17  }
0x9d: {  	v17 =	vld.idx.msk [tilespmem:v19+s3+$0x0], $0xffff  }
0x9e: {  	v19 =	vor.u32 v7, v18;
	_ =	sdelay $0x3  }
0x9f: {  	[tilespmem:s16+$0x6700] =	vst v17  }
0xa0: {  	v17 =	vld.idx.msk [tilespmem:v19+s3+$0x0], $0xffff  }
0xa1: {  	v19 =	vor.u32 v8, v18;
	_ =	sdelay $0x1  }
0xa2: {  	s14 =	sor.u32 s29, s15  }
0xa3: {  	s14 =	sor.u32 $0x380, s14  }
0xa4: {  	[tilespmem:s14+$0x6400] =	vst v17  }
0xa5: {  	v17 =	vld.idx.msk [tilespmem:v19+s3+$0x0], $0xffff  }
0xa6: {  	v19 =	vor.u32 v9, v18;
	_ =	sdelay $0x3  }
0xa7: {  	[tilespmem:s16+$0x8400] =	vst v17  }
0xa8: {  	v17 =	vld.idx.msk [tilespmem:v19+s3+$0x0], $0xffff  }
0xa9: {  	v19 =	vor.u32 v10, v18;
	_ =	sdelay $0x3  }
0xaa: {  	[tilespmem:s16+$0x8480] =	vst v17  }
0xab: {  	v17 =	vld.idx.msk [tilespmem:v19+s3+$0x0], $0xffff  }
0xac: {  	v19 =	vor.u32 v11, v18;
	_ =	sdelay $0x3  }
0xad: {  	[tilespmem:s16+$0x8500] =	vst v17  }
0xae: {  	v17 =	vld.idx.msk [tilespmem:v19+s3+$0x0], $0xffff  }
0xaf: {  	v19 =	vor.u32 v12, v18;
	_ =	sdelay $0x3  }
0xb0: {  	[tilespmem:s16+$0x8580] =	vst v17  }
0xb1: {  	v17 =	vld.idx.msk [tilespmem:v19+s3+$0x0], $0xffff  }
0xb2: {  	v19 =	vor.u32 v13, v18;
	_ =	sdelay $0x3  }
0xb3: {  	[tilespmem:s16+$0x8600] =	vst v17  }
0xb4: {  	v17 =	vld.idx.msk [tilespmem:v19+s3+$0x0], $0xffff  }
0xb5: {  	v19 =	vor.u32 v14, v18;
	_ =	sdelay $0x3  }
0xb6: {  	[tilespmem:s16+$0x8680] =	vst v17  }
0xb7: {  	v17 =	vld.idx.msk [tilespmem:v19+s3+$0x0], $0xffff  }
0xb8: {  	v18 =	vor.u32 v15, v18;
	_ =	sdelay $0x3  }
0xb9: {  	[tilespmem:s16+$0x8700] =	vst v17  }
0xba: {  	v17 =	vld.idx.msk [tilespmem:v18+s3+$0x0], $0xffff;
	_ =	sdelay $0x4  }
0xbb: {  	[tilespmem:s16+$0x8780] =	vst v17  }
0xbc: {  	[spmem:s4] =	stream.linear.scatter [tilespmem:s8], [sflag:$0x2], $0x4000, $0x38;
	[tilespmem:$0xE400] =	vst v63  }
0xbd: {  	_ =	swait.ge [sflag:s9], $0x4000  }
0xbe: {  	s13 =	sadd.s32 $0x1, s13;
	[sflag:s9] =	ssyncset.done $0x0  }
0xbf: {  	p1 =	sne.s32 s13, s6;
	[sflag:s9] =	ssyncadd.s32 $0xFFFFC000  }
.Ltmp1:
0xc0: {  	[bflag:$0x0] =	sbarrier.arrive $0xFFFF;
	(pc) =	sbr.rel @p1 .LBB2_1-.Ltmp1, $4  }
0xc1: {  	[hbm:s5], [sflag:s10] =	dma.local [spmem:s11], $0x8000  }
0xc2: {  	_ =	swait.ge [sflag:s12], $0x8000  }
0xc3: {  	[sflag:s12] =	ssyncset.done $0x0  }
0xc4: {  	[sflag:s12] =	ssyncadd.s32 $0xFFFF8000  }
0xc5: {  	_ =	sfence.sel $0x180000  }
0xc6: {  	[bflag:$0x0] =	sbarrier.arrive $0xFFFF  }
0xc7: {  	p0 =	sne.s32 s0, $0x0;
	_ =	strace $0x90000047  }
0xc8: {  	s0 =	sadd.s32 @!p0 $0x100000, s2;
	[bflag:$0x2] =	sbarrier.arrive $0xFFFF  }
0xc9: {  	[sflag:s0] =	ssyncadd.tile.s32 @!p0 $0x1;
	_ =	shalt  }
.Lfunc_end2:
_tile_overlayer_lowered:
.L_overlay_start_2:
0xca: {  	(tag) =	ssettag $0x2  }
0xcb: {  	s0 =	rddreg [dreg:$0x0];
	s2 =	stileid.u32  }
0xcc: {  	s1 =	rddreg [dreg:$0x1];
	p0 =	sne.s32 s2, $0x0  }
0xcd: {  	s3 =	rddreg [dreg:$0x2];
	[bflag:$0x3] =	sbarrier.arrive $0xFFFF;
	s2 =	simm.s32 @!p0 $0x1C04  }
0xce: {  	[timem:s3], [sflag:s2] =	dma.local @!p0 [hbm:s0], s1  }
0xcf: {  	s0 =	simm.s32 @!p0 $0x4  }
0xd0: {  	_ =	swait.ge @!p0 [sflag:s0], s1  }
0xd1: {  	s1 =	ssub.s32 @!p0 $0x0, s1;
	[sflag:s0] =	ssyncset.done @!p0 $0x0  }
0xd2: {  	[sflag:s0] =	ssyncadd.s32 @!p0 s1  }
0xd3: {  	[bflag:$0x3] =	sbarrier.arrive $0xFFFF  }
0xd4: {  	_ =	shalt  }

</sc_bundles>
